<compile_context>
chip_gen: v7x
topology: tpu7x:2x2x1
jax: 0.10.2.dev20260603
libtpu: 0.0.44.dev20260713+nightly
codegen_flags: <defaults>
</compile_context>

<pallas_src>
import functools

import jax
import jax.numpy as jnp
from jax import lax
from jax.experimental import pallas as pl
from jax.experimental.pallas import tpu as pltpu
from jax.experimental.pallas import tpu_sc as plsc

B = 16384
NCAT = 26
VOCAB = 100000
VOCAB_PAD = 100096
D = 32
NCONT = 13
NBINS = 8
NTOK = NCAT + NCONT

NC, NS = 2, 16
NW = NC * NS
ROWS = B * NCAT
ROWS_PER_W = ROWS // NW
CHUNK = 128
STEPS = ROWS_PER_W // CHUNK

VB = 5888
VB4 = VB // 4
NVB = VOCAB_PAD // VB
RPF = VOCAB_PAD // 4
BB = 512
BQ = BB // 4


def _detile_kernel(t_ref, o_ref):
    x = t_ref[...]
    parts = [jnp.swapaxes(x[:, :, k * VB4:(k + 1) * VB4], 1, 2)
             for k in range(4)]
    o_ref[...] = jnp.concatenate(parts, axis=2)


def _detile(t2):
    return pl.pallas_call(
        _detile_kernel,
        grid=(NCAT, NVB),
        in_specs=[pl.BlockSpec((1, D, VB), lambda f, v: (f, 0, v))],
        out_specs=pl.BlockSpec((1, VB4, 4 * D), lambda f, v: (f, v, 0)),
        out_shape=jax.ShapeDtypeStruct((NCAT, RPF, 4 * D), jnp.float32),
    )(t2)


def _gather_body(table_h, idx_h, out_h, idx_v, buf_v, gsem, wsem):
    wid = lax.axis_index("s") * NC + lax.axis_index("c")
    base = wid * ROWS_PER_W
    pltpu.sync_copy(idx_h.at[wid], idx_v)

    def step(j, carry):
        pltpu.async_copy(table_h.at[idx_v.at[j]], buf_v, gsem).wait()
        pltpu.async_copy(buf_v, out_h.at[pl.ds(base + j * CHUNK, CHUNK)],
                         wsem).wait()
        return carry

    lax.fori_loop(0, STEPS, step, 0)


@functools.cache
def _sc_gather():
    return pl.kernel(
        _gather_body,
        out_type=jax.ShapeDtypeStruct((ROWS, D), jnp.float32),
        mesh=plsc.VectorSubcoreMesh(core_axis_name="c", subcore_axis_name="s",
                                    num_cores=NC, num_subcores=NS),
        compiler_params=pltpu.CompilerParams(use_tc_tiling_on_sc=False),
        scratch_types=[
            pltpu.VMEM((STEPS, CHUNK), jnp.int32),
            pltpu.VMEM((CHUNK, D), jnp.float32),
            pltpu.SemaphoreType.DMA,
            pltpu.SemaphoreType.DMA,
        ],
    )


def _pack_kernel(g_ref, xrep_ref, bb_ref, w_ref, b_ref, o_ref):
    y = jnp.swapaxes(g_ref[:, 0], 1, 2)
    for k in range(4):
        o_ref[0:NCAT, :, k * BQ:(k + 1) * BQ] = (
            y[:, k * D:(k + 1) * D, :])
    enc = jnp.maximum(1.0 - jnp.abs(xrep_ref[...] - bb_ref[...]), 0.0)
    cont = lax.dot_general(w_ref[...], enc, (((0,), (0,)), ((), ())),
                           preferred_element_type=jnp.float32)
    cont = cont + b_ref[...]
    o_ref[NCAT:NTOK] = cont.reshape(NCONT, D, BB)


def _pack(g4, x_rep_t, bb_col, W, b_col):
    nf = NCONT * NBINS
    return pl.pallas_call(
        _pack_kernel,
        grid=(B // BB,),
        in_specs=[
            pl.BlockSpec((NCAT, 1, BQ, 128), lambda i: (0, i, 0, 0)),
            pl.BlockSpec((nf, BB), lambda i: (0, i)),
            pl.BlockSpec((nf, 1), lambda i: (0, 0)),
            pl.BlockSpec((nf, NCONT * D), lambda i: (0, 0)),
            pl.BlockSpec((NCONT * D, 1), lambda i: (0, 0)),
        ],
        out_specs=pl.BlockSpec((NTOK, D, BB), lambda i: (0, 0, i)),
        out_shape=jax.ShapeDtypeStruct((NTOK, D, B), jnp.float32),
    )(g4, x_rep_t, bb_col, W, b_col)


def kernel(x_cat, x_cont, tables, bin_boundaries, W, b):
    t2 = jnp.transpose(tables, (0, 2, 1))
    table_rows = _detile(t2).reshape(NCAT * VOCAB_PAD, D)

    v = x_cat.T.astype(jnp.int32)
    vi, w = v // VB, v % VB
    k, u = w // VB4, w % VB4
    r32 = ((jnp.arange(NCAT, dtype=jnp.int32) * RPF)[:, None]
           + vi * VB4 + u) * 4 + k
    perm = (r32.reshape(NCAT, B // BB, 4, BQ)
            .transpose(0, 1, 3, 2))
    idx3 = perm.reshape(NW, STEPS, CHUNK)
    g_flat = _sc_gather()(table_rows, idx3)

    x_rep_t = jnp.repeat(x_cont.T, NBINS, axis=0)
    bb_col = bin_boundaries.reshape(NCONT * NBINS, 1)
    out_phys = _pack(g_flat.reshape(NCAT, B // BB, BQ, 128), x_rep_t, bb_col,
                     W, b.reshape(NCONT * D, 1))
    return jnp.transpose(out_phys, (2, 0, 1))

# --- scband reference (transcript-rebuilt; emitter-appended) ---
"""Pipeline reference for scband-feature-tokenizer-74234214744644 (READ-ONLY COPY).

The authoritative reference and input builder live on the scoring server;
editing this copy changes nothing except your own understanding.
"""

import jax, jax.numpy as jnp
import numpy as np

B = 16384
NCAT = 26
VOCAB = 100000
D = 32
NCONT = 13
NBINS = 8


def setup_inputs(seed: int = 0) -> dict:
    key = jax.random.key(seed)
    ks = jax.random.split(key, 5)
    x_cat = jax.random.randint(ks[0], (B, NCAT), 0, VOCAB)
    x_cont = jax.random.normal(ks[1], (B, NCONT), dtype=jnp.float32)
    # 26 embedding tables, all cardinality VOCAB, stacked: [NCAT, VOCAB, D]
    tables = jax.random.normal(ks[2], (NCAT, VOCAB, D), dtype=jnp.float32) * 0.02
    # PLR params
    bin_boundaries = jnp.tile(jnp.linspace(-3.0, 3.0, NBINS, dtype=jnp.float32)[None, :], (NCONT, 1))
    W = jax.random.normal(ks[3], (NCONT * NBINS, NCONT * D), dtype=jnp.float32) * 0.05
    b = jax.random.normal(ks[4], (NCONT * D,), dtype=jnp.float32) * 0.01
    return {"x_cat": x_cat, "x_cont": x_cont, "tables": tables, "bin_boundaries": bin_boundaries, "W": W, "b": b}


def reference(x_cat, x_cont, tables, bin_boundaries, W, b):
    # categorical tokens: per-field embedding lookup, stacked along field axis
    # tables[i][x_cat[:, i]] for each field i -> [B, NCAT, D]
    field_idx = jnp.arange(tables.shape[0])[None, :]  # [1, NCAT]
    cat_tokens = tables[field_idx, x_cat]  # [B, NCAT, D]
    # dropout is identity in eval mode
    # PLR embedding for continuous features
    x_expanded = x_cont[:, :, None]  # [B, NCONT, 1]
    boundaries = bin_boundaries[None, :, :]  # [1, NCONT, NBINS]
    plr_encoding = jax.nn.relu(1.0 - jnp.abs(x_expanded - boundaries))  # [B, NCONT, NBINS]
    plr_flat = plr_encoding.reshape(x_cont.shape[0], -1)  # [B, NCONT*NBINS]
    cont_out = plr_flat @ W + b  # [B, NCONT*D]
    cont_tokens = cont_out.reshape(x_cont.shape[0], NCONT, D)  # [B, NCONT, D]
    tokens = jnp.concatenate([cat_tokens, cont_tokens], axis=1)  # [B, NCAT+NCONT, D]
    return tokens

if __name__ == "__main__":
    import jax
    _d = setup_inputs()
    print(jax.jit(kernel)(*tuple(_d.values())))

</pallas_src>

<mosaic_0001>
#map = affine_map<(d0, d1) -> (0, 0)>
#map1 = affine_map<(d0, d1) -> (0, 0, 0)>
module attributes {stable_mosaic.version = 14 : i64} {
  func.func @_gather_body(%arg0: i32, %arg1: i32, %arg2: memref<2602496x32xf32, #tpu.memory_space<hbm>>, %arg3: memref<32x104x128xi32, #tpu.memory_space<hbm>>, %arg4: memref<425984x32xf32, #tpu.memory_space<hbm>>, %arg5: memref<104x128xi32, #tpu.memory_space<vmem>>, %arg6: memref<128x32xf32, #tpu.memory_space<vmem>>, %arg7: memref<!tpu.dma_semaphore, #tpu.memory_space<semaphore_mem>>, %arg8: memref<!tpu.dma_semaphore, #tpu.memory_space<semaphore_mem>>) attributes {dimension_semantics = [#tpu.dimension_semantics<core_parallel>, #tpu.dimension_semantics<subcore_parallel>], iteration_bounds = array<i64: 2, 16>, scalar_prefetch = 0 : i64, scratch_operands = 4 : i64, tpu.core_type = #tpu.core_type<sc_vector_subcore>, window_params = [{transform_indices = #map}, {transform_indices = #map1}, {transform_indices = #map}]} {
    %mul3A = arith.constant 2 : i32
    %mul3A_0 = arith.muli %arg1, %mul3A : i32
    %add3A = arith.addi %mul3A_0, %arg0 : i32
    %mul3A_1 = arith.constant 13312 : i32
    %mul3A_2 = arith.muli %add3A, %mul3A_1 : i32
    "tpu.region"() ({
      %run_scoped3A = tpu.sem_alloc : memref<!tpu.dma_semaphore, #tpu.memory_space<semaphore_mem>>
      %dma_start3A = arith.constant 0 : i32
      %dma_start3A_8 = arith.constant 0 : i32
      %dma_start3A_9 = tpu.memref_slice %arg3[%add3A, %dma_start3A, %dma_start3A_8] : memref<32x104x128xi32, #tpu.memory_space<hbm>> -> memref<1x104x128xi32, #tpu.memory_space<hbm>>
      %dma_start3A_10 = tpu.memref_squeeze %dma_start3A_9 : memref<1x104x128xi32, #tpu.memory_space<hbm>> -> memref<104x128xi32, #tpu.memory_space<hbm>>
      %dma_start3A_11 = arith.constant 0 : i32
      %dma_start3A_12 = arith.constant 0 : i32
      %dma_start3A_13 = tpu.memref_slice %arg3[%add3A, %dma_start3A_11, %dma_start3A_12] : memref<32x104x128xi32, #tpu.memory_space<hbm>> -> memref<1x104x128xi32, #tpu.memory_space<hbm>>
      %dma_start3A_14 = tpu.memref_squeeze %dma_start3A_13 : memref<1x104x128xi32, #tpu.memory_space<hbm>> -> memref<104x128xi32, #tpu.memory_space<hbm>>
      tpu.enqueue_dma source(%dma_start3A_14 : memref<104x128xi32, #tpu.memory_space<hbm>>) target(%arg5 : memref<104x128xi32, #tpu.memory_space<vmem>>) target_semaphore(%run_scoped3A : memref<!tpu.dma_semaphore, #tpu.memory_space<semaphore_mem>>)
      %dma_wait3A = arith.constant 0 : i32
      %dma_wait3A_15 = arith.constant 0 : i32
      %dma_wait3A_16 = tpu.memref_slice %arg3[%add3A, %dma_wait3A, %dma_wait3A_15] : memref<32x104x128xi32, #tpu.memory_space<hbm>> -> memref<1x104x128xi32, #tpu.memory_space<hbm>>
      %dma_wait3A_17 = tpu.memref_squeeze %dma_wait3A_16 : memref<1x104x128xi32, #tpu.memory_space<hbm>> -> memref<104x128xi32, #tpu.memory_space<hbm>>
      %dma_wait3A_18 = arith.constant 0 : i32
      %dma_wait3A_19 = arith.constant 0 : i32
      %dma_wait3A_20 = tpu.memref_slice %arg3[%add3A, %dma_wait3A_18, %dma_wait3A_19] : memref<32x104x128xi32, #tpu.memory_space<hbm>> -> memref<1x104x128xi32, #tpu.memory_space<hbm>>
      %dma_wait3A_21 = tpu.memref_squeeze %dma_wait3A_20 : memref<1x104x128xi32, #tpu.memory_space<hbm>> -> memref<104x128xi32, #tpu.memory_space<hbm>>
      tpu.wait_dma2 semaphore(%run_scoped3A : memref<!tpu.dma_semaphore, #tpu.memory_space<semaphore_mem>>) src(%dma_wait3A_21 : memref<104x128xi32, #tpu.memory_space<hbm>>) dst(%arg5 : memref<104x128xi32, #tpu.memory_space<vmem>>)
      tpu.yield
    }) : () -> ()
    %scan3A = arith.constant 0 : i32
    %scan3A_3 = arith.constant 0 : i32
    %scan3A_4 = arith.constant 104 : i32
    %scan3A_5 = arith.addi %scan3A_3, %scan3A_4 : i32
    %scan3A_6 = arith.constant 1 : i32
    scf.for %scan3A_8 = %scan3A_3 to %scan3A_5 step %scan3A_6  : i32 {
      %dma_start3A = arith.constant 0 : i32
      %dma_start3A_9 = tpu.memref_slice %arg5[%scan3A_8, %dma_start3A] : memref<104x128xi32, #tpu.memory_space<vmem>> -> memref<1x128xi32, #tpu.memory_space<vmem>>
      %dma_start3A_10 = tpu.memref_squeeze %dma_start3A_9 : memref<1x128xi32, #tpu.memory_space<vmem>> -> memref<128xi32, #tpu.memory_space<vmem>>
      %dma_start3A_11 = arith.constant 0 : i32
      %dma_start3A_12 = arith.constant 0 : i32
      %dma_start3A_13 = tpu.memref_slice %arg2[%dma_start3A_11, %dma_start3A_12] : memref<2602496x32xf32, #tpu.memory_space<hbm>> -> memref<2602496x32xf32, #tpu.memory_space<hbm>>
      tpu.enqueue_indirect_dma source(%dma_start3A_13 : memref<2602496x32xf32, #tpu.memory_space<hbm>>) target(%arg6 : memref<128x32xf32, #tpu.memory_space<vmem>>) offsets(%dma_start3A_10 : memref<128xi32, #tpu.memory_space<vmem>>) semaphore(%arg7 : memref<!tpu.dma_semaphore, #tpu.memory_space<semaphore_mem>>)
      %dma_wait3A = arith.constant 0 : i32
      %dma_wait3A_14 = tpu.memref_slice %arg5[%scan3A_8, %dma_wait3A] : memref<104x128xi32, #tpu.memory_space<vmem>> -> memref<1x128xi32, #tpu.memory_space<vmem>>
      %dma_wait3A_15 = tpu.memref_squeeze %dma_wait3A_14 : memref<1x128xi32, #tpu.memory_space<vmem>> -> memref<128xi32, #tpu.memory_space<vmem>>
      %dma_wait3A_16 = arith.constant 0 : i32
      %dma_wait3A_17 = arith.constant 0 : i32
      %dma_wait3A_18 = tpu.memref_slice %arg2[%dma_wait3A_16, %dma_wait3A_17] : memref<2602496x32xf32, #tpu.memory_space<hbm>> -> memref<2602496x32xf32, #tpu.memory_space<hbm>>
      tpu.wait_indirect_dma semaphore(%arg7 : memref<!tpu.dma_semaphore, #tpu.memory_space<semaphore_mem>>) src(%dma_wait3A_18 : memref<2602496x32xf32, #tpu.memory_space<hbm>>) dst(%arg6 : memref<128x32xf32, #tpu.memory_space<vmem>>)
      %mul3A_19 = arith.constant 128 : i32
      %mul3A_20 = arith.muli %scan3A_8, %mul3A_19 : i32
      %add3A_21 = arith.addi %mul3A_2, %mul3A_20 : i32
      %dma_start3A_22 = arith.constant 0 : i32
      %dma_start3A_23 = tpu.memref_slice %arg4[%add3A_21, %dma_start3A_22] : memref<425984x32xf32, #tpu.memory_space<hbm>> -> memref<128x32xf32, #tpu.memory_space<hbm>>
      %dma_start3A_24 = arith.constant 0 : i32
      %dma_start3A_25 = tpu.memref_slice %arg4[%add3A_21, %dma_start3A_24] : memref<425984x32xf32, #tpu.memory_space<hbm>> -> memref<128x32xf32, #tpu.memory_space<hbm>>
      tpu.enqueue_dma source(%arg6 : memref<128x32xf32, #tpu.memory_space<vmem>>) target(%dma_start3A_25 : memref<128x32xf32, #tpu.memory_space<hbm>>) target_semaphore(%arg8 : memref<!tpu.dma_semaphore, #tpu.memory_space<semaphore_mem>>)
      %dma_wait3A_26 = arith.constant 0 : i32
      %dma_wait3A_27 = tpu.memref_slice %arg4[%add3A_21, %dma_wait3A_26] : memref<425984x32xf32, #tpu.memory_space<hbm>> -> memref<128x32xf32, #tpu.memory_space<hbm>>
      %dma_wait3A_28 = arith.constant 0 : i32
      %dma_wait3A_29 = tpu.memref_slice %arg4[%add3A_21, %dma_wait3A_28] : memref<425984x32xf32, #tpu.memory_space<hbm>> -> memref<128x32xf32, #tpu.memory_space<hbm>>
      tpu.wait_dma2 semaphore(%arg8 : memref<!tpu.dma_semaphore, #tpu.memory_space<semaphore_mem>>) src(%arg6 : memref<128x32xf32, #tpu.memory_space<vmem>>) dst(%dma_wait3A_29 : memref<128x32xf32, #tpu.memory_space<hbm>>)
    }
    %scan3A_7 = arith.constant 104 : i32
    return
  }
}

module attributes {stable_mosaic.version = 14 : i64} {
  func.func @_detile_kernel(%arg0: i32, %arg1: i32, %arg2: memref<1x32x5888xf32, #tpu.memory_space<vmem>>, %arg3: memref<1x1472x128xf32, #tpu.memory_space<vmem>>) attributes {dimension_semantics = [#tpu.dimension_semantics<arbitrary>, #tpu.dimension_semantics<arbitrary>], iteration_bounds = array<i64: 26, 17>, scalar_prefetch = 0 : i64, scratch_operands = 0 : i64, tpu.core_type = #tpu.core_type<tc>, window_params = [{transform_indices = @transform_0, window_bounds = array<i64: 1, 32, 5888>}, {transform_indices = @transform_1, window_bounds = array<i64: 1, 1472, 128>}]} {
    %get3A = arith.constant 0 : index
    %get3A_0 = arith.constant 0 : index
    %get3A_1 = arith.constant 0 : index
    %get3A_2 = vector.load %arg2[%get3A, %get3A_0, %get3A_1] : memref<1x32x5888xf32, #tpu.memory_space<vmem>>, vector<1x32x5888xf32>
    %slice3A = vector.extract_strided_slice %get3A_2 {offsets = [0, 0, 0], sizes = [1, 32, 1472], strides = [1, 1, 1]} : vector<1x32x5888xf32> to vector<1x32x1472xf32>
    %transpose3A = tpu.transpose %slice3A, [0, 2, 1] : vector<1x32x1472xf32> -> vector<1x1472x32xf32>
    %slice3A_3 = vector.extract_strided_slice %get3A_2 {offsets = [0, 0, 1472], sizes = [1, 32, 1472], strides = [1, 1, 1]} : vector<1x32x5888xf32> to vector<1x32x1472xf32>
    %transpose3A_4 = tpu.transpose %slice3A_3, [0, 2, 1] : vector<1x32x1472xf32> -> vector<1x1472x32xf32>
    %slice3A_5 = vector.extract_strided_slice %get3A_2 {offsets = [0, 0, 2944], sizes = [1, 32, 1472], strides = [1, 1, 1]} : vector<1x32x5888xf32> to vector<1x32x1472xf32>
    %transpose3A_6 = tpu.transpose %slice3A_5, [0, 2, 1] : vector<1x32x1472xf32> -> vector<1x1472x32xf32>
    %slice3A_7 = vector.extract_strided_slice %get3A_2 {offsets = [0, 0, 4416], sizes = [1, 32, 1472], strides = [1, 1, 1]} : vector<1x32x5888xf32> to vector<1x32x1472xf32>
    %transpose3A_8 = tpu.transpose %slice3A_7, [0, 2, 1] : vector<1x32x1472xf32> -> vector<1x1472x32xf32>
    %concatenate3A = tpu.concatenate %transpose3A, %transpose3A_4, %transpose3A_6, %transpose3A_8 in 2 : vector<1x1472x32xf32>, vector<1x1472x32xf32>, vector<1x1472x32xf32>, vector<1x1472x32xf32> -> vector<1x1472x128xf32>
    %swap3A = arith.constant 0 : index
    %swap3A_9 = arith.constant 0 : index
    %swap3A_10 = arith.constant 0 : index
    %swap3A_11 = vector.load %arg3[%swap3A, %swap3A_9, %swap3A_10] : memref<1x1472x128xf32, #tpu.memory_space<vmem>>, vector<1x1472x128xf32>
    tpu.vector_store %arg3[%swap3A, %swap3A_9, %swap3A_10], %concatenate3A {strides = array<i32>} : memref<1x1472x128xf32, #tpu.memory_space<vmem>>, vector<1x1472x128xf32>,
    return
  }
  func.func @transform_0(%arg0: i32, %arg1: i32) -> (i32, i32, i32) {
    %c0_i32 = arith.constant 0 : i32
    %c0_i32_0 = arith.constant 0 : i32
    return %arg0, %c0_i32, %arg1 : i32, i32, i32
  }
  func.func @transform_1(%arg0: i32, %arg1: i32) -> (i32, i32, i32) {
    %c0_i32 = arith.constant 0 : i32
    %c0_i32_0 = arith.constant 0 : i32
    return %arg0, %arg1, %c0_i32 : i32, i32, i32
  }
}

module attributes {stable_mosaic.version = 14 : i64} {
  func.func @_pack_kernel(%arg0: i32, %arg1: memref<26x1x128x128xf32, #tpu.memory_space<vmem>>, %arg2: memref<104x512xf32, #tpu.memory_space<vmem>>, %arg3: memref<104x1xf32, #tpu.memory_space<vmem>>, %arg4: memref<104x416xf32, #tpu.memory_space<vmem>>, %arg5: memref<416x1xf32, #tpu.memory_space<vmem>>, %arg6: memref<39x32x512xf32, #tpu.memory_space<vmem>>) attributes {dimension_semantics = [#tpu.dimension_semantics<arbitrary>], iteration_bounds = array<i64: 32>, scalar_prefetch = 0 : i64, scratch_operands = 0 : i64, tpu.core_type = #tpu.core_type<tc>, window_params = [{transform_indices = @transform_0, window_bounds = array<i64: 26, 1, 128, 128>}, {transform_indices = @transform_1, window_bounds = array<i64: 104, 512>}, {pipeline_mode = #tpu.pipeline_mode<synchronous>, transform_indices = @transform_2, window_bounds = array<i64: 104, 1>}, {pipeline_mode = #tpu.pipeline_mode<synchronous>, transform_indices = @transform_3, window_bounds = array<i64: 104, 416>}, {pipeline_mode = #tpu.pipeline_mode<synchronous>, transform_indices = @transform_4, window_bounds = array<i64: 416, 1>}, {transform_indices = @transform_5, window_bounds = array<i64: 39, 32, 512>}]} {
    %get3A = arith.constant 0 : index
    %get3A_0 = arith.constant 0 : index
    %get3A_1 = arith.constant 0 : index
    %get3A_2 = arith.constant 0 : index
    %get3A_3 = vector.load %arg1[%get3A, %get3A_0, %get3A_1, %get3A_2] : memref<26x1x128x128xf32, #tpu.memory_space<vmem>>, vector<26x1x128x128xf32>
    %get3A_4 = vector.shape_cast %get3A_3 : vector<26x1x128x128xf32> to vector<26x128x128xf32>
    %transpose3A = tpu.transpose %get3A_4, [0, 2, 1] : vector<26x128x128xf32> -> vector<26x128x128xf32>
    %slice3A = vector.extract_strided_slice %transpose3A {offsets = [0, 0, 0], sizes = [26, 32, 128], strides = [1, 1, 1]} : vector<26x128x128xf32> to vector<26x32x128xf32>
    %swap3A = arith.constant 0 : index
    %swap3A_5 = arith.constant 0 : index
    %swap3A_6 = arith.constant 0 : index
    %swap3A_7 = vector.load %arg6[%swap3A, %swap3A_5, %swap3A_6] : memref<39x32x512xf32, #tpu.memory_space<vmem>>, vector<26x32x128xf32>
    tpu.vector_store %arg6[%swap3A, %swap3A_5, %swap3A_6], %slice3A {strides = array<i32>} : memref<39x32x512xf32, #tpu.memory_space<vmem>>, vector<26x32x128xf32>,
    %slice3A_8 = vector.extract_strided_slice %transpose3A {offsets = [0, 32, 0], sizes = [26, 32, 128], strides = [1, 1, 1]} : vector<26x128x128xf32> to vector<26x32x128xf32>
    %swap3A_9 = arith.constant 0 : index
    %swap3A_10 = arith.constant 0 : index
    %swap3A_11 = arith.constant 128 : index
    %swap3A_12 = vector.load %arg6[%swap3A_9, %swap3A_10, %swap3A_11] : memref<39x32x512xf32, #tpu.memory_space<vmem>>, vector<26x32x128xf32>
    tpu.vector_store %arg6[%swap3A_9, %swap3A_10, %swap3A_11], %slice3A_8 {strides = array<i32>} : memref<39x32x512xf32, #tpu.memory_space<vmem>>, vector<26x32x128xf32>,
    %slice3A_13 = vector.extract_strided_slice %transpose3A {offsets = [0, 64, 0], sizes = [26, 32, 128], strides = [1, 1, 1]} : vector<26x128x128xf32> to vector<26x32x128xf32>
    %swap3A_14 = arith.constant 0 : index
    %swap3A_15 = arith.constant 0 : index
    %swap3A_16 = arith.constant 256 : index
    %swap3A_17 = vector.load %arg6[%swap3A_14, %swap3A_15, %swap3A_16] : memref<39x32x512xf32, #tpu.memory_space<vmem>>, vector<26x32x128xf32>
    tpu.vector_store %arg6[%swap3A_14, %swap3A_15, %swap3A_16], %slice3A_13 {strides = array<i32>} : memref<39x32x512xf32, #tpu.memory_space<vmem>>, vector<26x32x128xf32>,
    %slice3A_18 = vector.extract_strided_slice %transpose3A {offsets = [0, 96, 0], sizes = [26, 32, 128], strides = [1, 1, 1]} : vector<26x128x128xf32> to vector<26x32x128xf32>
    %swap3A_19 = arith.constant 0 : index
    %swap3A_20 = arith.constant 0 : index
    %swap3A_21 = arith.constant 384 : index
    %swap3A_22 = vector.load %arg6[%swap3A_19, %swap3A_20, %swap3A_21] : memref<39x32x512xf32, #tpu.memory_space<vmem>>, vector<26x32x128xf32>
    tpu.vector_store %arg6[%swap3A_19, %swap3A_20, %swap3A_21], %slice3A_18 {strides = array<i32>} : memref<39x32x512xf32, #tpu.memory_space<vmem>>, vector<26x32x128xf32>,
    %get3A_23 = arith.constant 0 : index
    %get3A_24 = arith.constant 0 : index
    %get3A_25 = vector.load %arg2[%get3A_23, %get3A_24] : memref<104x512xf32, #tpu.memory_space<vmem>>, vector<104x512xf32>
    %get3A_26 = arith.constant 0 : index
    %get3A_27 = arith.constant 0 : index
    %get3A_28 = vector.load %arg3[%get3A_26, %get3A_27] : memref<104x1xf32, #tpu.memory_space<vmem>>, vector<104x1xf32>
    %sub3A = vector.broadcast %get3A_28 : vector<104x1xf32> to vector<104x512xf32>
    %sub3A_29 = arith.subf %get3A_25, %sub3A : vector<104x512xf32>
    %abs3A = math.absf %sub3A_29 : vector<104x512xf32>
    %sub3A_30 = arith.constant 1.000000e+00 : f32
    %sub3A_31 = vector.broadcast %sub3A_30 : f32 to vector<104x512xf32>
    %sub3A_32 = arith.subf %sub3A_31, %abs3A : vector<104x512xf32>
    %max3A = arith.constant 0.000000e+00 : f32
    %max3A_33 = vector.broadcast %max3A : f32 to vector<104x512xf32>
    %max3A_34 = arith.maximumf %sub3A_32, %max3A_33 : vector<104x512xf32>
    %get3A_35 = arith.constant 0 : index
    %get3A_36 = arith.constant 0 : index
    %get3A_37 = vector.load %arg4[%get3A_35, %get3A_36] : memref<104x416xf32, #tpu.memory_space<vmem>>, vector<104x416xf32>
    %dot_general3A = arith.constant dense<0.000000e+00> : vector<416x512xf32>
    %dot_general3A_38 = tpu.matmul %get3A_37, %max3A_34, %dot_general3A {dimension_numbers = #tpu.dot_dimension_numbers<[0], [0], [1], [1], [0, 1, 1, 1], [], []>, transpose_lhs_hint = false} : vector<104x416xf32>, vector<104x512xf32>, vector<416x512xf32> -> vector<416x512xf32>
    %get3A_39 = arith.constant 0 : index
    %get3A_40 = arith.constant 0 : index
    %get3A_41 = vector.load %arg5[%get3A_39, %get3A_40] : memref<416x1xf32, #tpu.memory_space<vmem>>, vector<416x1xf32>
    %add3A = vector.broadcast %get3A_41 : vector<416x1xf32> to vector<416x512xf32>
    %add3A_42 = arith.addf %dot_general3A_38, %add3A : vector<416x512xf32>
    %reshape3A = vector.shape_cast %add3A_42 : vector<416x512xf32> to vector<13x32x512xf32>
    %swap3A_43 = arith.constant 26 : index
    %swap3A_44 = arith.constant 0 : index
    %swap3A_45 = arith.constant 0 : index
    %swap3A_46 = vector.load %arg6[%swap3A_43, %swap3A_44, %swap3A_45] : memref<39x32x512xf32, #tpu.memory_space<vmem>>, vector<13x32x512xf32>
    tpu.vector_store %arg6[%swap3A_43, %swap3A_44, %swap3A_45], %reshape3A {strides = array<i32>} : memref<39x32x512xf32, #tpu.memory_space<vmem>>, vector<13x32x512xf32>,
    return
  }
  func.func @transform_0(%arg0: i32) -> (i32, i32, i32, i32) {
    %c0_i32 = arith.constant 0 : i32
    %c0_i32_0 = arith.constant 0 : i32
    %c0_i32_1 = arith.constant 0 : i32
    %c0_i32_2 = arith.constant 0 : i32
    return %c0_i32, %arg0, %c0_i32_0, %c0_i32_1 : i32, i32, i32, i32
  }
  func.func @transform_1(%arg0: i32) -> (i32, i32) {
    %c0_i32 = arith.constant 0 : i32
    %c0_i32_0 = arith.constant 0 : i32
    return %c0_i32, %arg0 : i32, i32
  }
  func.func @transform_2(%arg0: i32) -> (i32, i32) {
    %c0_i32 = arith.constant 0 : i32
    %c0_i32_0 = arith.constant 0 : i32
    %c0_i32_1 = arith.constant 0 : i32
    return %c0_i32, %c0_i32_0 : i32, i32
  }
  func.func @transform_3(%arg0: i32) -> (i32, i32) {
    %c0_i32 = arith.constant 0 : i32
    %c0_i32_0 = arith.constant 0 : i32
    %c0_i32_1 = arith.constant 0 : i32
    return %c0_i32, %c0_i32_0 : i32, i32
  }
  func.func @transform_4(%arg0: i32) -> (i32, i32) {
    %c0_i32 = arith.constant 0 : i32
    %c0_i32_0 = arith.constant 0 : i32
    %c0_i32_1 = arith.constant 0 : i32
    return %c0_i32, %c0_i32_0 : i32, i32
  }
  func.func @transform_5(%arg0: i32) -> (i32, i32, i32) {
    %c0_i32 = arith.constant 0 : i32
    %c0_i32_0 = arith.constant 0 : i32
    %c0_i32_1 = arith.constant 0 : i32
    return %c0_i32, %c0_i32_0, %arg0 : i32, i32, i32
  }
}

</mosaic_0001>

<sc_bundles>
// kernel: kernel.5.cloned.1.call-start
scs
__scs_entry_jumppad:
0x0: {  	(pc) =	sbr.rel $0x88, $3  }
0x1: {  	(tag) =	ssettag $0x0;
	lr =	simm.s32 $0x1  }
0x2: {  	[smem:$0x3F9B] =	sst lr;
	_ =	strace $0xD0000000  }
0x3: {  	_ = 	snop  }
0x4: {  	_ = 	snop  }
0x5: {  	_ = 	snop  }
0x6: {  	_ = 	snop  }
0x7: {  	_ = 	snop  }
__scs_overlays_trampoline_lowered:
0x8: {  	[smem:$0x3FAA] =	sst s0  }
0x9: {  	[smem:$0x3FAB] =	sst s1  }
0xa: {  	[smem:$0x3FAC] =	sst s2  }
0xb: {  	[smem:$0x3FAD] =	sst s3  }
0xc: {  	[smem:$0x3FAE] =	sst s4  }
0xd: {  	[smem:$0x3FAF] =	sst s5  }
0xe: {  	[smem:$0x3FB0] =	sst s6  }
0xf: {  	[smem:$0x3FB1] =	sst s7  }
0x10: {  	[smem:$0x3FB2] =	sst s8  }
0x11: {  	[smem:$0x3FB3] =	sst s9;
	s0 =	simm.s32 @!p0 $0x0  }
0x12: {  	s1 =	sld [smem:$0x3F99];
	s0 =	simm.s32 @p0 $0x1  }
0x13: {  	[smem:$0x3FB4] =	sst s0;
	s0 =	simm.s32 @!p1 $0x0  }
0x14: {  	s2 =	sld [smem:$0x3F98];
	s0 =	simm.s32 @p1 $0x1  }
0x15: {  	[smem:$0x3FB5] =	sst s0;
	s0 =	simm.s32 @!p2 $0x0  }
0x16: {  	s3 =	sld [smem:$0x3FDB];
	s0 =	simm.s32 @p2 $0x1  }
0x17: {  	s4 =	simm.s32 $0x1BF5;
	[smem:$0x3FB7] =	sst s0  }
0x18: {  	s0 =	sld [smem:$0x3F9A];
	_ =	swait.ge [sflag:s4], $0x0  }
0x19: {  	s7 =	sld [smem:$0x3F9B]  }
0x1a: {  	s8 =	sadd.s32 $0xFFFFE003, lr  }
0x1b: {  	s9 =	sadd.s32 $0xFFFFFEF7, lr;
	s5 =	simm.s32 $0xFFFFFFFF;
	p2 =	slt.u32 s8, $0xFFFFF086  }
0x1c: {  	p1 =	slt.u32 s9, $0xF7A;
	s5 =	simm.s32 @!p2 $0x0  }
0x1d: {  	s5 =	simm.s32 @p1 $0x1;
	p0 =	seq.s32 s7, s2  }
0x1e: {  	s7 =	smul.u32 @!p0 $0xF7A, s2;
	p2 =	seq.s32 @!p0 s5, $0x0  }
0x1f: {  	s9 =	smul.u32 $0xF7A, s1;
	s8 =	simm.s32 @!p0 $0x1BF5;
	p2 =	por !p2, p0  }
0x20: {  	[sflag:s8] =	ssyncset.s32 @!p0 $0xFFFFF086;
	s6 =	sadd.s32 @!p0 s3, s7;
	s7 =	simm.s32 @!p0 $0x108  }
0x21: {  	s3 =	sadd.s32 s3, s9;
	s6 =	sadd.s32 @!p0 $0x88, s6;
	s7 =	simm.s32 @p2 $0x1082  }
0x22: {  	[simem:s7], [sflag:s8] =	dma.local @!p0 [hbm:s6], $0xF7A  }
0x23: {  	s9 =	sor.u32 $0xD0000000, s2;
	s6 =	simm.s32 $0x108;
	_ =	swait.ge @!p0 [sflag:s8], $0x0  }
0x24: {  	s3 =	sadd.s32 $0x88, s3;
	s6 =	simm.s32 @!p1 $0x1082;
	[sflag:s4] =	ssyncset.s32 $0xFFFFF086  }
0x25: {  	[simem:s6], [sflag:s4] =	dma.local [hbm:s3], $0xF7A  }
0x26: {  	[smem:$0x3F9B] =	sst s1;
	(tag) =	ssettag s2;
	_ =	strace s9  }
0x27: {  	s1 =	sld [smem:$0x3FAB]  }
0x28: {  	s2 =	sld [smem:$0x3FAC]  }
0x29: {  	s4 =	sld [smem:$0x3FAE]  }
0x2a: {  	p0 =	seq.s32 s5, $0x0;
	s5 =	sld [smem:$0x3FAF]  }
0x2b: {  	s6 =	sld [smem:$0x3FB0]  }
0x2c: {  	s7 =	sld [smem:$0x3FB1]  }
0x2d: {  	s3 =	simm.s32 $0x108;
	s8 =	sld [smem:$0x3FB2]  }
0x2e: {  	s3 =	simm.s32 @!p0 $0x1082;
	s9 =	sld [smem:$0x3FB3]  }
0x2f: {  	lr =	sadd.s32 s0, s3;
	s0 =	sld [smem:$0x3FAA]  }
0x30: {  	s3 =	sld [smem:$0x3FAD]  }
0x31: {  	[smem:$0x3FB6] =	sst s10  }
0x32: {  	s10 =	sld [smem:$0x3FB4];
	_ =	sdelay $0x3  }
0x33: {  	p0 =	seq.s32 s10, $0x1;
	s10 =	sld [smem:$0x3FB6];
	_ =	sdelay $0x3  }
0x34: {  	[smem:$0x3FB6] =	sst s10  }
0x35: {  	s10 =	sld [smem:$0x3FB5];
	_ =	sdelay $0x3  }
0x36: {  	p1 =	seq.s32 s10, $0x1;
	s10 =	sld [smem:$0x3FB6];
	_ =	sdelay $0x3  }
0x37: {  	[smem:$0x3FB6] =	sst s10  }
0x38: {  	s10 =	sld [smem:$0x3FB7]  }
0x39: {  	_ = 	snop;
	(pc) =	sbr.ind lr, $3  }
0x3a: {  	_ = 	snop  }
0x3b: {  	_ = 	snop  }
0x3c: {  	p2 =	seq.s32 s10, $0x1;
	s10 =	sld [smem:$0x3FB6]  }
0x3d: {  	_ =	shalt  }
0x3e: {  	_ =	shalt  }
0x3f: {  	_ =	shalt  }
0x40: {  	_ =	shalt  }
0x41: {  	_ =	shalt  }
0x42: {  	_ =	shalt  }
0x43: {  	_ =	shalt  }
0x44: {  	_ =	shalt  }
0x45: {  	_ =	shalt  }
0x46: {  	_ =	shalt  }
0x47: {  	_ =	shalt  }
0x48: {  	_ =	shalt  }
0x49: {  	_ =	shalt  }
0x4a: {  	_ =	shalt  }
0x4b: {  	_ =	shalt  }
0x4c: {  	_ =	shalt  }
0x4d: {  	_ =	shalt  }
0x4e: {  	_ =	shalt  }
0x4f: {  	_ =	shalt  }
0x50: {  	_ =	shalt  }
0x51: {  	_ =	shalt  }
0x52: {  	_ =	shalt  }
0x53: {  	_ =	shalt  }
0x54: {  	_ =	shalt  }
0x55: {  	_ =	shalt  }
0x56: {  	_ =	shalt  }
0x57: {  	_ =	shalt  }
0x58: {  	_ =	shalt  }
0x59: {  	_ =	shalt  }
0x5a: {  	_ =	shalt  }
0x5b: {  	_ =	shalt  }
0x5c: {  	_ =	shalt  }
0x5d: {  	_ =	shalt  }
0x5e: {  	_ =	shalt  }
0x5f: {  	_ =	shalt  }
0x60: {  	_ =	shalt  }
0x61: {  	_ =	shalt  }
0x62: {  	_ =	shalt  }
0x63: {  	_ =	shalt  }
0x64: {  	_ =	shalt  }
0x65: {  	_ =	shalt  }
0x66: {  	_ =	shalt  }
0x67: {  	_ =	shalt  }
0x68: {  	_ =	shalt  }
0x69: {  	_ =	shalt  }
0x6a: {  	_ =	shalt  }
0x6b: {  	_ =	shalt  }
0x6c: {  	_ =	shalt  }
0x6d: {  	_ =	shalt  }
0x6e: {  	_ =	shalt  }
0x6f: {  	_ =	shalt  }
0x70: {  	_ =	shalt  }
0x71: {  	_ =	shalt  }
0x72: {  	_ =	shalt  }
0x73: {  	_ =	shalt  }
0x74: {  	_ =	shalt  }
0x75: {  	_ =	shalt  }
0x76: {  	_ =	shalt  }
0x77: {  	_ =	shalt  }
0x78: {  	_ =	shalt  }
0x79: {  	_ =	shalt  }
0x7a: {  	_ =	shalt  }
0x7b: {  	_ =	shalt  }
0x7c: {  	_ =	shalt  }
0x7d: {  	_ =	shalt  }
0x7e: {  	_ =	shalt  }
0x7f: {  	_ =	shalt  }
0x80: {  	_ =	shalt  }
0x81: {  	_ =	shalt  }
0x82: {  	_ =	shalt  }
0x83: {  	_ =	shalt  }
0x84: {  	_ =	shalt  }
0x85: {  	_ =	shalt  }
0x86: {  	_ =	shalt  }
0x87: {  	_ =	shalt  }
.Lfunc_end0:
.L_simem_size_0:
called_computation_lowered:
.L_overlay_start_0:
0x88: {  	s2 =	sld [smem:$0x3FD9]  }
0x89: {  	s3 =	sld [smem:$0x3FFE];
	_ =	sdelay $0x1  }
0x8a: {  	s1 =	srdreg.scid  }
0x8b: {  	s0 =	sand.u32 $0x1, s1  }
0x8c: {  	s16 =	sshll.u32 s0, $0xA;
	s2 =	sadd.s32 s3, s2  }
0x8d: {  	s2 =	sadd.s32 s2, s16  }
0x8e: {  	[smem:$0x3FC2] =	sst s2  }
0x8f: {  	_ = 	snop  }
0x90: {  	(tm) =	ssettm $0x1  }
0x91: {  	s17 =	sld [smem:$0x3FFB];
	_ =	sdelay $0x3  }
0x92: {  	_ =	strace s17  }
0x93: {  	s2 =	sld [smem:$0x3FFC];
	_ =	sdelay $0x3  }
0x94: {  	_ =	strace s2  }
0x95: {  	s2 =	sld [smem:$0x3FFD];
	_ =	sdelay $0x3  }
0x96: {  	_ =	strace s2  }
0x97: {  	_ =	strace $0x8FFFFFFF  }
0x98: {  	s18 =	sld [smem:$0x3FDB];
	_ =	sdelay $0x1  }
0x99: {  	s19 =	simm.s32 $_scs_section_size  }
0x9a: {  	s4 =	simm.s32 $_size__tile_overlayer_lowered;
	s5 =	simm.s32 $_tile_overlayer_lowered  }
0x9b: {  	s22 =	simm.s32 $0x1BFF;
	s21 =	sshll.u32 s5, $0x1;
	s2 =	sadd.s32 s19, s18  }
0x9c: {  	s6 =	simm.s32 $0x0;
	s20 =	sshll.u32 s4, $0x1;
	s4 =	sadd.s32 s21, s2  }
0x9d: {  	[timem:s6], [sflag:s22] =	dma.local [hbm:s4], s20  }
0x9e: {  	_ =	swait.ge [sflag:s22], s20  }
0x9f: {  	s3 =	ssub.s32 $0x0, s20;
	[sflag:s22] =	ssyncset.done $0x0  }
0xa0: {  	[sflag:s22] =	ssyncadd.s32 s3;
	_ =	sdelay $0x1  }
0xa1: {  	s23 =	simm.s32 $0x1B8B  }
0xa2: {  	_ =	swait.ge [sflag:s23], $0x1  }
0xa3: {  	[sflag:s23] =	ssyncset.done $0x0  }
0xa4: {  	s25 =	simm.s32 $0x1B8E;
	s24 =	sld [smem:$0x3FFE];
	[sflag:s23] =	ssyncadd.s32 $0xFFFFFFFF  }
0xa5: {  	s26 =	simm.s32 $execute0_lowered;
	[smem:$0x3FD2] =	sst s25  }
0xa6: {  	s4 =	sshll.u32 s26, $0x1;
	_ =	strace $0x80000046;
	[dreg:$0x1] =	wrdreg $0xFFFFFFFF  }
0xa7: {  	s28 =	simm.s32 $_size_execute0_lowered;
	s2 =	sadd.s32 s2, s4;
	[dreg:$0x0] =	wrdreg $0x0  }
0xa8: {  	s4 =	sshll.u32 s28, $0x1;
	[dreg:$0x2] =	wrdreg s2  }
0xa9: {  	[dreg:$0x3] =	wrdreg s4  }
0xaa: {  	[dreg:$0x4] =	wrdreg $0xC0  }
0xab: {  	_ =	task [dreg:s6], $0x5FFFF  }
0xac: {  	[dreg:$0x1] =	wrdreg $0xFFFFFFFF  }
0xad: {  	[dreg:$0x0] =	wrdreg $0x60  }
0xae: {  	[dreg:$0x2] =	wrdreg s24  }
0xaf: {  	[dreg:$0x3] =	wrdreg $0x9  }
0xb0: {  	_ =	task.clear_ibuf [dreg:s6], $0x4FFFF;
	_ =	strace $0x90000046  }
0xb1: {  	s29 =	simm.s32 $0x9;
	_ =	strace $0x80000048  }
0xb2: {  	_ =	swait.ge [sflag:s29], $0x1  }
0xb3: {  	[sflag:s29] =	ssyncadd.s32 $0xFFFFFFFF  }
0xb4: {  	_ =	strace $0x90000048  }
0xb5: {  	_ =	sfence  }
0xb6: {  	s30 =	sld [smem:$0x0];
	_ =	sdelay $0x2  }
0xb7: {  	s31 =	sshll.u32 s1, $0xD;
	s1 =	sshrl.u32 s1, $0x2  }
0xb8: {  	s3 =	sand.u32 $0x4000, s31;
	s1 =	sadd.s32 s1, s30  }
0xb9: {  	s0 =	sor.u32 s3, s0;
	s1 =	sshll.u32 s1, $0x11  }
0xba: {  	s0 =	sor.u32 s1, s0  }
0xbb: {  	s0 =	sadd.s32 $0x8F2B, s0  }
0xbc: {  	[sflag:s0] =	ssyncadd.remote.s32 $0x1  }
0xbd: {  	_ =	sfence.sel $0xFFFF  }
0xbe: {  	[dreg:$0x0] =	wrdreg $0xFFFFFFFF;
	(pc) =	sbr.abs _section_cstart, $3  }
0xbf: {  	[dreg:$0x1] =	wrdreg $0xFFFFFFFF  }
0xc0: {  	_ =	task.clear_ibuf [dreg:s6], $0x2FFFF;
	_ =	strace $0x9FFFFFFF  }
0xc1: {  	(tm) =	ssettm $0x7FFFFFFF  }
tec
execute0_lowered:
.L_overlay_start_1:
0x0: {  	(tag) =	ssettag $0x1  }
0x1: {  	s1 =	srdreg.scid  }
0x2: {  	s0 =	stileid.u32;
	s4 =	rddreg [dreg:$0x0]  }
0x3: {  	s2 =	simm.s32 $0x0;
	s10 =	simm.s32 $0x1;
	s11 =	simm.s32 $0x2  }
0x4: {  	s12 =	simm.s32 $0x0;
	s5 =	sand.u32 $0x1, s1;
	s1 =	rddreg [dreg:$0x1]  }
0x5: {  	s3 =	sshll.u32 s0, $0x1;
	[smem:$0x7FF] =	sst s2;
	s7 =	smul.u32 $0x1A000, s0  }
0x6: {  	s3 =	sor.u32 s5, s3;
	s8 =	ssub.s32 $0x2, s5;
	s5 =	smul.u32 $0xD000, s5  }
0x7: {  	_ =	strace $0x80000047;
	s6 =	smul.u32 $0x3400, s3;
	s9 =	sshrl.u32 s8, $0x1  }
0x8: {  	s3 =	sadd.s32 $0x1000, s4;
	s7 =	sadd.s32 s7, s4;
	s31 =	ssub.s32 s8, s9  }
0x9: {  	s7 =	sadd.s32 s5, s7;
	s8 =	simm.s32 $0x80;
	s6 =	sshrl.u32 s6, $0x3  }
0xa: {  	s9 =	simm.s32 $0x3400;
	s5 =	smax.u32 s31, $0x1;
	s4 =	sadd.s32 s6, s4  }
0xb: {  	s6 =	sadd.s32 $0x9FB800, s7;
	s7 =	simm.s32 $0x3;
	s4 =	sadd.s32 $0x9EE800, s4  }
.LBB2_1:
0xc: {  	[tilespmem:s2], [sflag:$0x3] =	stream.linear.gather [hbm4b:s4+s2], $0x3400, $0x38;
	[tilespmem:$0x4400] =	vst v63  }
0xd: {  	_ =	swait.ge [sflag:s7], $0x3400  }
0xe: {  	[sflag:s7] =	ssyncset.done $0x0  }
0xf: {  	s13 =	simm.s32 $0x0;
	[sflag:s7] =	ssyncadd.s32 $0xFFFFCC00  }
0x10: {  	[tilespmem:s9], [sflag:$0x1] =	stream.indirect.gather [hbm4b:s3+s8], $0x20, s13, s8, $0xb8;
	[tilespmem:$0x4400] =	vst v63  }
0x11: {  	_ =	swait.ge [sflag:s10], $0x1000  }
0x12: {  	[sflag:s10] =	ssyncset.done $0x0  }
0x13: {  	s31 =	sadd.s32 $0x0, s6;
	[sflag:s10] =	ssyncadd.s32 $0xFFFFF000  }
0x14: {  	[hbm4b:s31+s2] =	stream.linear.scatter [tilespmem:s9], [sflag:$0x2], $0x1000, $0x38;
	[tilespmem:$0x4400] =	vst v63  }
0x15: {  	_ =	swait.ge [sflag:s11], $0x1000  }
0x16: {  	s14 =	simm.s32 $0x400;
	s13 =	simm.s32 $0x200;
	[sflag:s11] =	ssyncset.done $0x0  }
.LBB2_2:
0x17: {  	s15 =	sshra.s32 s13, $0x2  }
0x18: {  	[sflag:s11] =	ssyncadd.s32 $0xFFFFF000;
	s16 =	smov.u32 s14;
	s17 =	sadd.s32 $0x200, s14  }
0x19: {  	[tilespmem:s9], [sflag:$0x1] =	stream.indirect.gather [hbm4b:s3+s8], $0x20, s15, s8, $0xb8;
	[tilespmem:$0x4400] =	vst v63  }
0x1a: {  	p0 =	sne.s32 s14, $0xCE00;
	_ =	swait.ge [sflag:s10], $0x1000  }
.Ltmp0:
0x1b: {  	[sflag:s10] =	ssyncset.done $0x0;
	(pc) =	sbr.rel @p0 .LBB2_2-.Ltmp0, $4  }
0x1c: {  	s14 =	sadd.s32 s13, s6;
	s13 =	smov.u32 s16;
	[sflag:s10] =	ssyncadd.s32 $0xFFFFF000  }
0x1d: {  	[hbm4b:s14+s2] =	stream.linear.scatter [tilespmem:s9], [sflag:$0x2], $0x1000, $0x38;
	[tilespmem:$0x4400] =	vst v63  }
0x1e: {  	_ =	swait.ge [sflag:s11], $0x1000  }
0x1f: {  	s14 =	smov.u32 s17;
	[sflag:s11] =	ssyncset.done $0x0  }
0x20: {  	s14 =	sshra.s32 s13, $0x2;
	[sflag:s11] =	ssyncadd.s32 $0xFFFFF000  }
0x21: {  	[tilespmem:s9], [sflag:$0x1] =	stream.indirect.gather [hbm4b:s3+s8], $0x20, s14, s8, $0xb8;
	[tilespmem:$0x4400] =	vst v63  }
0x22: {  	s12 =	sadd.s32 $0x1, s12;
	_ =	swait.ge [sflag:s10], $0x1000  }
0x23: {  	p0 =	sne.s32 s12, s5;
	[sflag:s10] =	ssyncset.done $0x0  }
.Ltmp1:
0x24: {  	s31 =	sadd.s32 s13, s6;
	[sflag:s10] =	ssyncadd.s32 $0xFFFFF000;
	(pc) =	sbr.rel @p0 .LBB2_1-.Ltmp1, $4  }
0x25: {  	[hbm4b:s31+s2] =	stream.linear.scatter [tilespmem:s9], [sflag:$0x2], $0x1000, $0x38;
	[tilespmem:$0x4400] =	vst v63  }
0x26: {  	_ =	swait.ge [sflag:s11], $0x1000  }
0x27: {  	[sflag:s11] =	ssyncset.done $0x0  }
0x28: {  	[sflag:s11] =	ssyncadd.s32 $0xFFFFF000  }
0x29: {  	_ =	sfence.sel $0x180000  }
0x2a: {  	[bflag:$0x0] =	sbarrier.arrive $0xFFFF  }
0x2b: {  	p0 =	sne.s32 s0, $0x0;
	_ =	strace $0x90000047  }
0x2c: {  	s0 =	sadd.s32 @!p0 $0x100000, s1;
	[bflag:$0x2] =	sbarrier.arrive $0xFFFF  }
0x2d: {  	[sflag:s0] =	ssyncadd.tile.s32 @!p0 $0x1;
	_ =	shalt  }
.Lfunc_end2:
_tile_overlayer_lowered:
.L_overlay_start_2:
0x2e: {  	(tag) =	ssettag $0x2  }
0x2f: {  	s0 =	rddreg [dreg:$0x0];
	s2 =	stileid.u32  }
0x30: {  	s1 =	rddreg [dreg:$0x1];
	p0 =	sne.s32 s2, $0x0  }
0x31: {  	s3 =	rddreg [dreg:$0x2];
	[bflag:$0x3] =	sbarrier.arrive $0xFFFF;
	s2 =	simm.s32 @!p0 $0x1C03  }
0x32: {  	[timem:s3], [sflag:s2] =	dma.local @!p0 [hbm:s0], s1  }
0x33: {  	s0 =	simm.s32 @!p0 $0x3  }
0x34: {  	_ =	swait.ge @!p0 [sflag:s0], s1  }
0x35: {  	s1 =	ssub.s32 @!p0 $0x0, s1;
	[sflag:s0] =	ssyncset.done @!p0 $0x0  }
0x36: {  	[sflag:s0] =	ssyncadd.s32 @!p0 s1  }
0x37: {  	[bflag:$0x3] =	sbarrier.arrive $0xFFFF  }
0x38: {  	_ =	shalt  }

</sc_bundles>
